<compile_context>
chip_gen: v7x
topology: tpu7x:2x2x1
jax: 0.10.2.dev20260603
libtpu: 0.0.44.dev20260713+nightly
codegen_flags: <defaults>
</compile_context>

<pallas_src>
import functools

import jax
import jax.numpy as jnp
from jax import lax
from jax.experimental import pallas as pl
from jax.experimental.pallas import tpu as pltpu
from jax.experimental.pallas import tpu_sc as plsc

_NC, _NS = 2, 16
_NW = _NC * _NS
_B = 16384
_H1 = 64
_NUMERIC = 100
_EMBED = 128
_TEAMS = 1000
_SPW = _B // _NW


def _prep_body(ht_ref, at_ref, wh_ref, wa_ref, hf_ref, af_ref,
               tab_ref, idx_ref):
    tab_ref[...] = (
        jnp.dot(ht_ref[...], wh_ref[...], preferred_element_type=jnp.float32)
        + jnp.dot(at_ref[...], wa_ref[...], preferred_element_type=jnp.float32))
    ri = lax.broadcasted_iota(jnp.int32, (_EMBED, 2 * _EMBED), 0)
    ci = lax.broadcasted_iota(jnp.int32, (_EMBED, 2 * _EMBED), 1)
    eh = (ci == 2 * ri).astype(jnp.float32)
    ea = (ci == 2 * ri + 1).astype(jnp.float32)
    idxf = (jnp.dot(hf_ref[...], eh, preferred_element_type=jnp.float32,
                    precision=lax.Precision.HIGHEST)
            + jnp.dot(af_ref[...], ea, preferred_element_type=jnp.float32,
                      precision=lax.Precision.HIGHEST))
    idx_ref[...] = (idxf + 0.5).astype(jnp.int32)


_prep = pl.pallas_call(
    _prep_body,
    out_shape=(
        jax.ShapeDtypeStruct((_TEAMS, 2 * _H1), jnp.float32),
        jax.ShapeDtypeStruct((_B // 128, 256), jnp.int32),
    ),
)


_sc_mesh = plsc.VectorSubcoreMesh(core_axis_name="c", subcore_axis_name="s")


@functools.partial(
    pl.kernel,
    mesh=_sc_mesh,
    compiler_params=pltpu.CompilerParams(use_tc_tiling_on_sc=False),
    out_type=jax.ShapeDtypeStruct((2 * _B, _H1), jnp.float32),
    scratch_types=[
        pltpu.VMEM((2 * _SPW,), jnp.int32),
        pltpu.VMEM((2 * _SPW, _H1), jnp.float32),
        pltpu.VMEM_SHARED((2 * _TEAMS, _H1), jnp.float32),
        pltpu.SemaphoreType.DMA,
        pltpu.SemaphoreType.DMA,
    ],
)
def _gather(table_hbm, idx_hbm, out_hbm, idxp_v, rows_v, tab_sp, sem_g, sem_w):
    wid = lax.axis_index("s") * _NC + lax.axis_index("c")
    base = wid * 2 * _SPW
    @pl.when(lax.axis_index("s") == 0)
    def _stage():
        pltpu.sync_copy(table_hbm, tab_sp)

    pltpu.sync_copy(idx_hbm.at[pl.ds(base, 2 * _SPW)], idxp_v)
    plsc.subcore_barrier()

    nch = 4
    ch = 2 * _SPW // nch
    gathers = []
    for c in range(nch):
        sl = pl.ds(c * ch, ch)
        gathers.append(pltpu.async_copy(
            tab_sp.at[idxp_v.at[sl]], rows_v.at[sl], sem_g))
    writes = []
    for c in range(nch):
        sl = pl.ds(c * ch, ch)
        gathers[c].wait()
        writes.append(pltpu.async_copy(
            rows_v.at[sl], out_hbm.at[pl.ds(base + c * ch, ch)], sem_w))
    for w in writes:
        w.wait()


_PBB = 4096


def _pproj_body(numt_ref, w1n_ref, out_ref):
    p = lax.dot_general(numt_ref[...], w1n_ref[...],
                        (((0,), (0,)), ((), ())),
                        preferred_element_type=jnp.float32)
    out_ref[...] = p.astype(jnp.bfloat16)


_pproj = pl.pallas_call(
    _pproj_body,
    grid=(_B // _PBB,),
    in_specs=[
        pl.BlockSpec((_NUMERIC, _PBB), lambda i: (0, i)),
        pl.BlockSpec((_NUMERIC, _H1), lambda i: (0, 0)),
    ],
    out_specs=pl.BlockSpec((_PBB, _H1), lambda i: (i, 0)),
    out_shape=jax.ShapeDtypeStruct((_B, _H1), jnp.bfloat16),
)


_BB = 4096


def _mlp_body(p_ref, g_ref, s_ref, b1_ref, w2t_ref, b2_ref, w3t_ref, b3_ref,
              out_ref):
    gsum = jnp.dot(g_ref[...], s_ref[...], preferred_element_type=jnp.float32)
    x = jnp.maximum(p_ref[...].astype(jnp.float32) + gsum + b1_ref[...], 0.0)
    x = jnp.maximum(
        lax.dot_general(x, w2t_ref[...], (((1,), (1,)), ((), ())),
                        preferred_element_type=jnp.float32)
        + b2_ref[...], 0.0)
    out_ref[...] = (
        lax.dot_general(w3t_ref[...], x, (((1,), (1,)), ((), ())),
                        preferred_element_type=jnp.float32)
        + b3_ref[...])


_mlp = pl.pallas_call(
    _mlp_body,
    grid=(_B // _BB,),
    in_specs=[
        pl.BlockSpec((_BB, _H1), lambda i: (i, 0)),
        pl.BlockSpec((_BB, 2 * _H1), lambda i: (i, 0)),
        pl.BlockSpec((2 * _H1, _H1), lambda i: (0, 0)),
        pl.BlockSpec((1, _H1), lambda i: (0, 0)),
        pl.BlockSpec((32, _H1), lambda i: (0, 0)),
        pl.BlockSpec((1, 32), lambda i: (0, 0)),
        pl.BlockSpec((2, 32), lambda i: (0, 0)),
        pl.BlockSpec((2, 1), lambda i: (0, 0)),
    ],
    out_specs=pl.BlockSpec((2, _BB), lambda i: (0, i)),
    out_shape=jax.ShapeDtypeStruct((2, _B), jnp.float32),
)


def kernel(numeric_features, team_ids, home_table, away_table,
           W1, b1, W2, b2, W3, b3):
    ids = team_ids.astype(jnp.int32)
    hf = (2 * ids[:, 0]).astype(jnp.float32).reshape(_B // 128, _EMBED)
    af = (2 * ids[:, 1] + 1).astype(jnp.float32).reshape(_B // 128, _EMBED)
    zeros = jnp.zeros((_EMBED, _H1), dtype=jnp.float32)
    wh = jnp.concatenate([W1[_NUMERIC:_NUMERIC + _EMBED], zeros], axis=1)
    wa = jnp.concatenate([zeros, W1[_NUMERIC + _EMBED:]], axis=1)
    tab2d, idx2d = _prep(home_table, away_table, wh, wa, hf, af)
    table = tab2d.reshape(2 * _TEAMS, _H1)
    g = _gather(table, idx2d.reshape(2 * _B)).reshape(_B, 2 * _H1)
    p = _pproj(numeric_features.T, W1[:_NUMERIC])
    eye = jnp.eye(_H1, dtype=jnp.float32)
    s = jnp.concatenate([eye, eye], axis=0)
    out_t = _mlp(p, g, s, b1.reshape(1, _H1),
                 W2.T, b2.reshape(1, 32), W3.T, b3.reshape(2, 1))
    return out_t.T

# --- scband reference (transcript-rebuilt; emitter-appended) ---
"""Pipeline reference for scband-team-embeddings-45681272161038 (READ-ONLY COPY).

The authoritative reference and input builder live on the scoring server;
editing this copy changes nothing except your own understanding.
"""

import jax, jax.numpy as jnp
import numpy as np

NUM_TEAMS = 1000
EMBED_DIM = 128
NUM_NUMERIC = 100
BATCH = 16384


def setup_inputs(seed: int = 0) -> dict:
    key = jax.random.key(seed)
    ks = jax.random.split(key, 10)
    numeric_features = jax.random.normal(ks[0], (BATCH, NUM_NUMERIC), dtype=jnp.float32)
    team_ids = jax.random.randint(ks[1], (BATCH, 2), 0, NUM_TEAMS, dtype=jnp.int64 if jax.config.read('jax_enable_x64') else jnp.int32)
    home_table = jax.random.normal(ks[2], (NUM_TEAMS, EMBED_DIM), dtype=jnp.float32)
    away_table = jax.random.normal(ks[3], (NUM_TEAMS, EMBED_DIM), dtype=jnp.float32)
    input_size = NUM_NUMERIC + EMBED_DIM * 2
    W1 = jax.random.normal(ks[4], (input_size, 64), dtype=jnp.float32) * (1.0 / np.sqrt(input_size))
    b1 = jnp.zeros((64,), dtype=jnp.float32)
    W2 = jax.random.normal(ks[5], (64, 32), dtype=jnp.float32) * (1.0 / np.sqrt(64))
    b2 = jnp.zeros((32,), dtype=jnp.float32)
    W3 = jax.random.normal(ks[6], (32, 2), dtype=jnp.float32) * (1.0 / np.sqrt(32))
    b3 = jnp.zeros((2,), dtype=jnp.float32)
    return {
        'numeric_features': numeric_features,
        'team_ids': team_ids,
        'home_table': home_table,
        'away_table': away_table,
        'W1': W1, 'b1': b1,
        'W2': W2, 'b2': b2,
        'W3': W3, 'b3': b3,
    }


def reference(numeric_features, team_ids, home_table, away_table, W1, b1, W2, b2, W3, b3):
    home_emb = jnp.take(home_table, team_ids[:, 0], axis=0)
    away_emb = jnp.take(away_table, team_ids[:, 1], axis=0)
    x = jnp.concatenate([numeric_features, home_emb, away_emb], axis=1)
    x = jax.nn.relu(x @ W1 + b1)
    x = jax.nn.relu(x @ W2 + b2)
    out = x @ W3 + b3
    return out

if __name__ == "__main__":
    import jax
    _d = setup_inputs()
    print(jax.jit(kernel)(*tuple(_d.values())))

</pallas_src>

<mosaic_0001>
#map = affine_map<(d0, d1) -> (0, 0)>
#map1 = affine_map<(d0, d1) -> (0)>
module attributes {stable_mosaic.version = 14 : i64} {
  func.func @_gather(%arg0: i32, %arg1: i32, %arg2: memref<2000x64xf32, #tpu.memory_space<hbm>>, %arg3: memref<32768xi32, #tpu.memory_space<hbm>>, %arg4: memref<32768x64xf32, #tpu.memory_space<hbm>>, %arg5: memref<1024xi32, #tpu.memory_space<vmem>>, %arg6: memref<1024x64xf32, #tpu.memory_space<vmem>>, %arg7: memref<2000x64xf32, #tpu.memory_space<vmem_shared>>, %arg8: memref<!tpu.dma_semaphore, #tpu.memory_space<semaphore_mem>>, %arg9: memref<!tpu.dma_semaphore, #tpu.memory_space<semaphore_mem>>) attributes {dimension_semantics = [#tpu.dimension_semantics<core_parallel>, #tpu.dimension_semantics<subcore_parallel>], iteration_bounds = array<i64: 2, 16>, scalar_prefetch = 0 : i64, scratch_operands = 5 : i64, tpu.core_type = #tpu.core_type<sc_vector_subcore>, window_params = [{transform_indices = #map}, {transform_indices = #map1}, {transform_indices = #map}]} {
    %mul3A = arith.constant 2 : i32
    %mul3A_0 = arith.muli %arg1, %mul3A : i32
    %add3A = arith.addi %mul3A_0, %arg0 : i32
    %mul3A_1 = arith.constant 2 : i32
    %mul3A_2 = arith.muli %add3A, %mul3A_1 : i32
    %mul3A_3 = arith.constant 512 : i32
    %mul3A_4 = arith.muli %mul3A_2, %mul3A_3 : i32
    %eq3A = arith.constant 0 : i32
    %eq3A_5 = arith.cmpi eq, %arg1, %eq3A : i32
    %convert_element_type3A = arith.extui %eq3A_5 : i1 to i32
    %cond3A = arith.constant 0 : i32
    %cond3A_6 = arith.cmpi ne, %convert_element_type3A, %cond3A : i32
    scf.if %cond3A_6 {
      "tpu.region"() ({
        %run_scoped3A = tpu.sem_alloc : memref<!tpu.dma_semaphore, #tpu.memory_space<semaphore_mem>>
        tpu.enqueue_dma source(%arg2 : memref<2000x64xf32, #tpu.memory_space<hbm>>) target(%arg7 : memref<2000x64xf32, #tpu.memory_space<vmem_shared>>) target_semaphore(%run_scoped3A : memref<!tpu.dma_semaphore, #tpu.memory_space<semaphore_mem>>)
        tpu.wait_dma2 semaphore(%run_scoped3A : memref<!tpu.dma_semaphore, #tpu.memory_space<semaphore_mem>>) src(%arg2 : memref<2000x64xf32, #tpu.memory_space<hbm>>) dst(%arg7 : memref<2000x64xf32, #tpu.memory_space<vmem_shared>>)
        tpu.yield
      }) : () -> ()
    } else {
    }
    "tpu.region"() ({
      %run_scoped3A = tpu.sem_alloc : memref<!tpu.dma_semaphore, #tpu.memory_space<semaphore_mem>>
      %dma_start3A_157 = tpu.memref_slice %arg3[%mul3A_4] : memref<32768xi32, #tpu.memory_space<hbm>> -> memref<1024xi32, #tpu.memory_space<hbm>>
      %dma_start3A_158 = tpu.memref_slice %arg3[%mul3A_4] : memref<32768xi32, #tpu.memory_space<hbm>> -> memref<1024xi32, #tpu.memory_space<hbm>>
      tpu.enqueue_dma source(%dma_start3A_158 : memref<1024xi32, #tpu.memory_space<hbm>>) target(%arg5 : memref<1024xi32, #tpu.memory_space<vmem>>) target_semaphore(%run_scoped3A : memref<!tpu.dma_semaphore, #tpu.memory_space<semaphore_mem>>)
      %dma_wait3A_159 = tpu.memref_slice %arg3[%mul3A_4] : memref<32768xi32, #tpu.memory_space<hbm>> -> memref<1024xi32, #tpu.memory_space<hbm>>
      %dma_wait3A_160 = tpu.memref_slice %arg3[%mul3A_4] : memref<32768xi32, #tpu.memory_space<hbm>> -> memref<1024xi32, #tpu.memory_space<hbm>>
      tpu.wait_dma2 semaphore(%run_scoped3A : memref<!tpu.dma_semaphore, #tpu.memory_space<semaphore_mem>>) src(%dma_wait3A_160 : memref<1024xi32, #tpu.memory_space<hbm>>) dst(%arg5 : memref<1024xi32, #tpu.memory_space<vmem>>)
      tpu.yield
    }) : () -> ()
    %barrier3A = arith.constant 0 : index
    tpu.barrier barrier_id(%barrier3A)
    %dma_start3A = arith.constant 0 : i32
    %dma_start3A_7 = arith.constant 0 : i32
    %dma_start3A_8 = tpu.memref_slice %arg6[%dma_start3A, %dma_start3A_7] : memref<1024x64xf32, #tpu.memory_space<vmem>> -> memref<256x64xf32, #tpu.memory_space<vmem>>
    %dma_start3A_9 = arith.constant 0 : i32
    %dma_start3A_10 = tpu.memref_slice %arg5[%dma_start3A_9] : memref<1024xi32, #tpu.memory_space<vmem>> -> memref<256xi32, #tpu.memory_space<vmem>>
    %dma_start3A_11 = arith.constant 0 : i32
    %dma_start3A_12 = arith.constant 0 : i32
    %dma_start3A_13 = tpu.memref_slice %arg7[%dma_start3A_11, %dma_start3A_12] : memref<2000x64xf32, #tpu.memory_space<vmem_shared>> -> memref<2000x64xf32, #tpu.memory_space<vmem_shared>>
    tpu.enqueue_indirect_dma source(%dma_start3A_13 : memref<2000x64xf32, #tpu.memory_space<vmem_shared>>) target(%dma_start3A_8 : memref<256x64xf32, #tpu.memory_space<vmem>>) offsets(%dma_start3A_10 : memref<256xi32, #tpu.memory_space<vmem>>) semaphore(%arg8 : memref<!tpu.dma_semaphore, #tpu.memory_space<semaphore_mem>>)
    %dma_start3A_14 = arith.constant 256 : i32
    %dma_start3A_15 = arith.constant 0 : i32
    %dma_start3A_16 = tpu.memref_slice %arg6[%dma_start3A_14, %dma_start3A_15] : memref<1024x64xf32, #tpu.memory_space<vmem>> -> memref<256x64xf32, #tpu.memory_space<vmem>>
    %dma_start3A_17 = arith.constant 256 : i32
    %dma_start3A_18 = tpu.memref_slice %arg5[%dma_start3A_17] : memref<1024xi32, #tpu.memory_space<vmem>> -> memref<256xi32, #tpu.memory_space<vmem>>
    %dma_start3A_19 = arith.constant 0 : i32
    %dma_start3A_20 = arith.constant 0 : i32
    %dma_start3A_21 = tpu.memref_slice %arg7[%dma_start3A_19, %dma_start3A_20] : memref<2000x64xf32, #tpu.memory_space<vmem_shared>> -> memref<2000x64xf32, #tpu.memory_space<vmem_shared>>
    tpu.enqueue_indirect_dma source(%dma_start3A_21 : memref<2000x64xf32, #tpu.memory_space<vmem_shared>>) target(%dma_start3A_16 : memref<256x64xf32, #tpu.memory_space<vmem>>) offsets(%dma_start3A_18 : memref<256xi32, #tpu.memory_space<vmem>>) semaphore(%arg8 : memref<!tpu.dma_semaphore, #tpu.memory_space<semaphore_mem>>)
    %dma_start3A_22 = arith.constant 512 : i32
    %dma_start3A_23 = arith.constant 0 : i32
    %dma_start3A_24 = tpu.memref_slice %arg6[%dma_start3A_22, %dma_start3A_23] : memref<1024x64xf32, #tpu.memory_space<vmem>> -> memref<256x64xf32, #tpu.memory_space<vmem>>
    %dma_start3A_25 = arith.constant 512 : i32
    %dma_start3A_26 = tpu.memref_slice %arg5[%dma_start3A_25] : memref<1024xi32, #tpu.memory_space<vmem>> -> memref<256xi32, #tpu.memory_space<vmem>>
    %dma_start3A_27 = arith.constant 0 : i32
    %dma_start3A_28 = arith.constant 0 : i32
    %dma_start3A_29 = tpu.memref_slice %arg7[%dma_start3A_27, %dma_start3A_28] : memref<2000x64xf32, #tpu.memory_space<vmem_shared>> -> memref<2000x64xf32, #tpu.memory_space<vmem_shared>>
    tpu.enqueue_indirect_dma source(%dma_start3A_29 : memref<2000x64xf32, #tpu.memory_space<vmem_shared>>) target(%dma_start3A_24 : memref<256x64xf32, #tpu.memory_space<vmem>>) offsets(%dma_start3A_26 : memref<256xi32, #tpu.memory_space<vmem>>) semaphore(%arg8 : memref<!tpu.dma_semaphore, #tpu.memory_space<semaphore_mem>>)
    %dma_start3A_30 = arith.constant 768 : i32
    %dma_start3A_31 = arith.constant 0 : i32
    %dma_start3A_32 = tpu.memref_slice %arg6[%dma_start3A_30, %dma_start3A_31] : memref<1024x64xf32, #tpu.memory_space<vmem>> -> memref<256x64xf32, #tpu.memory_space<vmem>>
    %dma_start3A_33 = arith.constant 768 : i32
    %dma_start3A_34 = tpu.memref_slice %arg5[%dma_start3A_33] : memref<1024xi32, #tpu.memory_space<vmem>> -> memref<256xi32, #tpu.memory_space<vmem>>
    %dma_start3A_35 = arith.constant 0 : i32
    %dma_start3A_36 = arith.constant 0 : i32
    %dma_start3A_37 = tpu.memref_slice %arg7[%dma_start3A_35, %dma_start3A_36] : memref<2000x64xf32, #tpu.memory_space<vmem_shared>> -> memref<2000x64xf32, #tpu.memory_space<vmem_shared>>
    tpu.enqueue_indirect_dma source(%dma_start3A_37 : memref<2000x64xf32, #tpu.memory_space<vmem_shared>>) target(%dma_start3A_32 : memref<256x64xf32, #tpu.memory_space<vmem>>) offsets(%dma_start3A_34 : memref<256xi32, #tpu.memory_space<vmem>>) semaphore(%arg8 : memref<!tpu.dma_semaphore, #tpu.memory_space<semaphore_mem>>)
    %dma_wait3A = arith.constant 0 : i32
    %dma_wait3A_38 = arith.constant 0 : i32
    %dma_wait3A_39 = tpu.memref_slice %arg6[%dma_wait3A, %dma_wait3A_38] : memref<1024x64xf32, #tpu.memory_space<vmem>> -> memref<256x64xf32, #tpu.memory_space<vmem>>
    %dma_wait3A_40 = arith.constant 0 : i32
    %dma_wait3A_41 = tpu.memref_slice %arg5[%dma_wait3A_40] : memref<1024xi32, #tpu.memory_space<vmem>> -> memref<256xi32, #tpu.memory_space<vmem>>
    %dma_wait3A_42 = arith.constant 0 : i32
    %dma_wait3A_43 = arith.constant 0 : i32
    %dma_wait3A_44 = tpu.memref_slice %arg7[%dma_wait3A_42, %dma_wait3A_43] : memref<2000x64xf32, #tpu.memory_space<vmem_shared>> -> memref<2000x64xf32, #tpu.memory_space<vmem_shared>>
    tpu.wait_indirect_dma semaphore(%arg8 : memref<!tpu.dma_semaphore, #tpu.memory_space<semaphore_mem>>) src(%dma_wait3A_44 : memref<2000x64xf32, #tpu.memory_space<vmem_shared>>) dst(%dma_wait3A_39 : memref<256x64xf32, #tpu.memory_space<vmem>>)
    %add3A_45 = arith.constant 0 : i32
    %add3A_46 = arith.addi %mul3A_4, %add3A_45 : i32
    %dma_start3A_47 = arith.constant 0 : i32
    %dma_start3A_48 = arith.constant 0 : i32
    %dma_start3A_49 = tpu.memref_slice %arg6[%dma_start3A_47, %dma_start3A_48] : memref<1024x64xf32, #tpu.memory_space<vmem>> -> memref<256x64xf32, #tpu.memory_space<vmem>>
    %dma_start3A_50 = arith.constant 0 : i32
    %dma_start3A_51 = tpu.memref_slice %arg4[%add3A_46, %dma_start3A_50] : memref<32768x64xf32, #tpu.memory_space<hbm>> -> memref<256x64xf32, #tpu.memory_space<hbm>>
    %dma_start3A_52 = arith.constant 0 : i32
    %dma_start3A_53 = tpu.memref_slice %arg4[%add3A_46, %dma_start3A_52] : memref<32768x64xf32, #tpu.memory_space<hbm>> -> memref<256x64xf32, #tpu.memory_space<hbm>>
    %dma_start3A_54 = arith.constant 0 : i32
    %dma_start3A_55 = arith.constant 0 : i32
    %dma_start3A_56 = tpu.memref_slice %arg6[%dma_start3A_54, %dma_start3A_55] : memref<1024x64xf32, #tpu.memory_space<vmem>> -> memref<256x64xf32, #tpu.memory_space<vmem>>
    tpu.enqueue_dma source(%dma_start3A_56 : memref<256x64xf32, #tpu.memory_space<vmem>>) target(%dma_start3A_53 : memref<256x64xf32, #tpu.memory_space<hbm>>) target_semaphore(%arg9 : memref<!tpu.dma_semaphore, #tpu.memory_space<semaphore_mem>>)
    %dma_wait3A_57 = arith.constant 256 : i32
    %dma_wait3A_58 = arith.constant 0 : i32
    %dma_wait3A_59 = tpu.memref_slice %arg6[%dma_wait3A_57, %dma_wait3A_58] : memref<1024x64xf32, #tpu.memory_space<vmem>> -> memref<256x64xf32, #tpu.memory_space<vmem>>
    %dma_wait3A_60 = arith.constant 256 : i32
    %dma_wait3A_61 = tpu.memref_slice %arg5[%dma_wait3A_60] : memref<1024xi32, #tpu.memory_space<vmem>> -> memref<256xi32, #tpu.memory_space<vmem>>
    %dma_wait3A_62 = arith.constant 0 : i32
    %dma_wait3A_63 = arith.constant 0 : i32
    %dma_wait3A_64 = tpu.memref_slice %arg7[%dma_wait3A_62, %dma_wait3A_63] : memref<2000x64xf32, #tpu.memory_space<vmem_shared>> -> memref<2000x64xf32, #tpu.memory_space<vmem_shared>>
    tpu.wait_indirect_dma semaphore(%arg8 : memref<!tpu.dma_semaphore, #tpu.memory_space<semaphore_mem>>) src(%dma_wait3A_64 : memref<2000x64xf32, #tpu.memory_space<vmem_shared>>) dst(%dma_wait3A_59 : memref<256x64xf32, #tpu.memory_space<vmem>>)
    %add3A_65 = arith.constant 256 : i32
    %add3A_66 = arith.addi %mul3A_4, %add3A_65 : i32
    %dma_start3A_67 = arith.constant 256 : i32
    %dma_start3A_68 = arith.constant 0 : i32
    %dma_start3A_69 = tpu.memref_slice %arg6[%dma_start3A_67, %dma_start3A_68] : memref<1024x64xf32, #tpu.memory_space<vmem>> -> memref<256x64xf32, #tpu.memory_space<vmem>>
    %dma_start3A_70 = arith.constant 0 : i32
    %dma_start3A_71 = tpu.memref_slice %arg4[%add3A_66, %dma_start3A_70] : memref<32768x64xf32, #tpu.memory_space<hbm>> -> memref<256x64xf32, #tpu.memory_space<hbm>>
    %dma_start3A_72 = arith.constant 0 : i32
    %dma_start3A_73 = tpu.memref_slice %arg4[%add3A_66, %dma_start3A_72] : memref<32768x64xf32, #tpu.memory_space<hbm>> -> memref<256x64xf32, #tpu.memory_space<hbm>>
    %dma_start3A_74 = arith.constant 256 : i32
    %dma_start3A_75 = arith.constant 0 : i32
    %dma_start3A_76 = tpu.memref_slice %arg6[%dma_start3A_74, %dma_start3A_75] : memref<1024x64xf32, #tpu.memory_space<vmem>> -> memref<256x64xf32, #tpu.memory_space<vmem>>
    tpu.enqueue_dma source(%dma_start3A_76 : memref<256x64xf32, #tpu.memory_space<vmem>>) target(%dma_start3A_73 : memref<256x64xf32, #tpu.memory_space<hbm>>) target_semaphore(%arg9 : memref<!tpu.dma_semaphore, #tpu.memory_space<semaphore_mem>>)
    %dma_wait3A_77 = arith.constant 512 : i32
    %dma_wait3A_78 = arith.constant 0 : i32
    %dma_wait3A_79 = tpu.memref_slice %arg6[%dma_wait3A_77, %dma_wait3A_78] : memref<1024x64xf32, #tpu.memory_space<vmem>> -> memref<256x64xf32, #tpu.memory_space<vmem>>
    %dma_wait3A_80 = arith.constant 512 : i32
    %dma_wait3A_81 = tpu.memref_slice %arg5[%dma_wait3A_80] : memref<1024xi32, #tpu.memory_space<vmem>> -> memref<256xi32, #tpu.memory_space<vmem>>
    %dma_wait3A_82 = arith.constant 0 : i32
    %dma_wait3A_83 = arith.constant 0 : i32
    %dma_wait3A_84 = tpu.memref_slice %arg7[%dma_wait3A_82, %dma_wait3A_83] : memref<2000x64xf32, #tpu.memory_space<vmem_shared>> -> memref<2000x64xf32, #tpu.memory_space<vmem_shared>>
    tpu.wait_indirect_dma semaphore(%arg8 : memref<!tpu.dma_semaphore, #tpu.memory_space<semaphore_mem>>) src(%dma_wait3A_84 : memref<2000x64xf32, #tpu.memory_space<vmem_shared>>) dst(%dma_wait3A_79 : memref<256x64xf32, #tpu.memory_space<vmem>>)
    %add3A_85 = arith.constant 512 : i32
    %add3A_86 = arith.addi %mul3A_4, %add3A_85 : i32
    %dma_start3A_87 = arith.constant 512 : i32
    %dma_start3A_88 = arith.constant 0 : i32
    %dma_start3A_89 = tpu.memref_slice %arg6[%dma_start3A_87, %dma_start3A_88] : memref<1024x64xf32, #tpu.memory_space<vmem>> -> memref<256x64xf32, #tpu.memory_space<vmem>>
    %dma_start3A_90 = arith.constant 0 : i32
    %dma_start3A_91 = tpu.memref_slice %arg4[%add3A_86, %dma_start3A_90] : memref<32768x64xf32, #tpu.memory_space<hbm>> -> memref<256x64xf32, #tpu.memory_space<hbm>>
    %dma_start3A_92 = arith.constant 0 : i32
    %dma_start3A_93 = tpu.memref_slice %arg4[%add3A_86, %dma_start3A_92] : memref<32768x64xf32, #tpu.memory_space<hbm>> -> memref<256x64xf32, #tpu.memory_space<hbm>>
    %dma_start3A_94 = arith.constant 512 : i32
    %dma_start3A_95 = arith.constant 0 : i32
    %dma_start3A_96 = tpu.memref_slice %arg6[%dma_start3A_94, %dma_start3A_95] : memref<1024x64xf32, #tpu.memory_space<vmem>> -> memref<256x64xf32, #tpu.memory_space<vmem>>
    tpu.enqueue_dma source(%dma_start3A_96 : memref<256x64xf32, #tpu.memory_space<vmem>>) target(%dma_start3A_93 : memref<256x64xf32, #tpu.memory_space<hbm>>) target_semaphore(%arg9 : memref<!tpu.dma_semaphore, #tpu.memory_space<semaphore_mem>>)
    %dma_wait3A_97 = arith.constant 768 : i32
    %dma_wait3A_98 = arith.constant 0 : i32
    %dma_wait3A_99 = tpu.memref_slice %arg6[%dma_wait3A_97, %dma_wait3A_98] : memref<1024x64xf32, #tpu.memory_space<vmem>> -> memref<256x64xf32, #tpu.memory_space<vmem>>
    %dma_wait3A_100 = arith.constant 768 : i32
    %dma_wait3A_101 = tpu.memref_slice %arg5[%dma_wait3A_100] : memref<1024xi32, #tpu.memory_space<vmem>> -> memref<256xi32, #tpu.memory_space<vmem>>
    %dma_wait3A_102 = arith.constant 0 : i32
    %dma_wait3A_103 = arith.constant 0 : i32
    %dma_wait3A_104 = tpu.memref_slice %arg7[%dma_wait3A_102, %dma_wait3A_103] : memref<2000x64xf32, #tpu.memory_space<vmem_shared>> -> memref<2000x64xf32, #tpu.memory_space<vmem_shared>>
    tpu.wait_indirect_dma semaphore(%arg8 : memref<!tpu.dma_semaphore, #tpu.memory_space<semaphore_mem>>) src(%dma_wait3A_104 : memref<2000x64xf32, #tpu.memory_space<vmem_shared>>) dst(%dma_wait3A_99 : memref<256x64xf32, #tpu.memory_space<vmem>>)
    %add3A_105 = arith.constant 768 : i32
    %add3A_106 = arith.addi %mul3A_4, %add3A_105 : i32
    %dma_start3A_107 = arith.constant 768 : i32
    %dma_start3A_108 = arith.constant 0 : i32
    %dma_start3A_109 = tpu.memref_slice %arg6[%dma_start3A_107, %dma_start3A_108] : memref<1024x64xf32, #tpu.memory_space<vmem>> -> memref<256x64xf32, #tpu.memory_space<vmem>>
    %dma_start3A_110 = arith.constant 0 : i32
    %dma_start3A_111 = tpu.memref_slice %arg4[%add3A_106, %dma_start3A_110] : memref<32768x64xf32, #tpu.memory_space<hbm>> -> memref<256x64xf32, #tpu.memory_space<hbm>>
    %dma_start3A_112 = arith.constant 0 : i32
    %dma_start3A_113 = tpu.memref_slice %arg4[%add3A_106, %dma_start3A_112] : memref<32768x64xf32, #tpu.memory_space<hbm>> -> memref<256x64xf32, #tpu.memory_space<hbm>>
    %dma_start3A_114 = arith.constant 768 : i32
    %dma_start3A_115 = arith.constant 0 : i32
    %dma_start3A_116 = tpu.memref_slice %arg6[%dma_start3A_114, %dma_start3A_115] : memref<1024x64xf32, #tpu.memory_space<vmem>> -> memref<256x64xf32, #tpu.memory_space<vmem>>
    tpu.enqueue_dma source(%dma_start3A_116 : memref<256x64xf32, #tpu.memory_space<vmem>>) target(%dma_start3A_113 : memref<256x64xf32, #tpu.memory_space<hbm>>) target_semaphore(%arg9 : memref<!tpu.dma_semaphore, #tpu.memory_space<semaphore_mem>>)
    %dma_wait3A_117 = arith.constant 0 : i32
    %dma_wait3A_118 = arith.constant 0 : i32
    %dma_wait3A_119 = tpu.memref_slice %arg6[%dma_wait3A_117, %dma_wait3A_118] : memref<1024x64xf32, #tpu.memory_space<vmem>> -> memref<256x64xf32, #tpu.memory_space<vmem>>
    %dma_wait3A_120 = arith.constant 0 : i32
    %dma_wait3A_121 = tpu.memref_slice %arg4[%add3A_46, %dma_wait3A_120] : memref<32768x64xf32, #tpu.memory_space<hbm>> -> memref<256x64xf32, #tpu.memory_space<hbm>>
    %dma_wait3A_122 = arith.constant 0 : i32
    %dma_wait3A_123 = tpu.memref_slice %arg4[%add3A_46, %dma_wait3A_122] : memref<32768x64xf32, #tpu.memory_space<hbm>> -> memref<256x64xf32, #tpu.memory_space<hbm>>
    %dma_wait3A_124 = arith.constant 0 : i32
    %dma_wait3A_125 = arith.constant 0 : i32
    %dma_wait3A_126 = tpu.memref_slice %arg6[%dma_wait3A_124, %dma_wait3A_125] : memref<1024x64xf32, #tpu.memory_space<vmem>> -> memref<256x64xf32, #tpu.memory_space<vmem>>
    tpu.wait_dma2 semaphore(%arg9 : memref<!tpu.dma_semaphore, #tpu.memory_space<semaphore_mem>>) src(%dma_wait3A_126 : memref<256x64xf32, #tpu.memory_space<vmem>>) dst(%dma_wait3A_123 : memref<256x64xf32, #tpu.memory_space<hbm>>)
    %dma_wait3A_127 = arith.constant 256 : i32
    %dma_wait3A_128 = arith.constant 0 : i32
    %dma_wait3A_129 = tpu.memref_slice %arg6[%dma_wait3A_127, %dma_wait3A_128] : memref<1024x64xf32, #tpu.memory_space<vmem>> -> memref<256x64xf32, #tpu.memory_space<vmem>>
    %dma_wait3A_130 = arith.constant 0 : i32
    %dma_wait3A_131 = tpu.memref_slice %arg4[%add3A_66, %dma_wait3A_130] : memref<32768x64xf32, #tpu.memory_space<hbm>> -> memref<256x64xf32, #tpu.memory_space<hbm>>
    %dma_wait3A_132 = arith.constant 0 : i32
    %dma_wait3A_133 = tpu.memref_slice %arg4[%add3A_66, %dma_wait3A_132] : memref<32768x64xf32, #tpu.memory_space<hbm>> -> memref<256x64xf32, #tpu.memory_space<hbm>>
    %dma_wait3A_134 = arith.constant 256 : i32
    %dma_wait3A_135 = arith.constant 0 : i32
    %dma_wait3A_136 = tpu.memref_slice %arg6[%dma_wait3A_134, %dma_wait3A_135] : memref<1024x64xf32, #tpu.memory_space<vmem>> -> memref<256x64xf32, #tpu.memory_space<vmem>>
    tpu.wait_dma2 semaphore(%arg9 : memref<!tpu.dma_semaphore, #tpu.memory_space<semaphore_mem>>) src(%dma_wait3A_136 : memref<256x64xf32, #tpu.memory_space<vmem>>) dst(%dma_wait3A_133 : memref<256x64xf32, #tpu.memory_space<hbm>>)
    %dma_wait3A_137 = arith.constant 512 : i32
    %dma_wait3A_138 = arith.constant 0 : i32
    %dma_wait3A_139 = tpu.memref_slice %arg6[%dma_wait3A_137, %dma_wait3A_138] : memref<1024x64xf32, #tpu.memory_space<vmem>> -> memref<256x64xf32, #tpu.memory_space<vmem>>
    %dma_wait3A_140 = arith.constant 0 : i32
    %dma_wait3A_141 = tpu.memref_slice %arg4[%add3A_86, %dma_wait3A_140] : memref<32768x64xf32, #tpu.memory_space<hbm>> -> memref<256x64xf32, #tpu.memory_space<hbm>>
    %dma_wait3A_142 = arith.constant 0 : i32
    %dma_wait3A_143 = tpu.memref_slice %arg4[%add3A_86, %dma_wait3A_142] : memref<32768x64xf32, #tpu.memory_space<hbm>> -> memref<256x64xf32, #tpu.memory_space<hbm>>
    %dma_wait3A_144 = arith.constant 512 : i32
    %dma_wait3A_145 = arith.constant 0 : i32
    %dma_wait3A_146 = tpu.memref_slice %arg6[%dma_wait3A_144, %dma_wait3A_145] : memref<1024x64xf32, #tpu.memory_space<vmem>> -> memref<256x64xf32, #tpu.memory_space<vmem>>
    tpu.wait_dma2 semaphore(%arg9 : memref<!tpu.dma_semaphore, #tpu.memory_space<semaphore_mem>>) src(%dma_wait3A_146 : memref<256x64xf32, #tpu.memory_space<vmem>>) dst(%dma_wait3A_143 : memref<256x64xf32, #tpu.memory_space<hbm>>)
    %dma_wait3A_147 = arith.constant 768 : i32
    %dma_wait3A_148 = arith.constant 0 : i32
    %dma_wait3A_149 = tpu.memref_slice %arg6[%dma_wait3A_147, %dma_wait3A_148] : memref<1024x64xf32, #tpu.memory_space<vmem>> -> memref<256x64xf32, #tpu.memory_space<vmem>>
    %dma_wait3A_150 = arith.constant 0 : i32
    %dma_wait3A_151 = tpu.memref_slice %arg4[%add3A_106, %dma_wait3A_150] : memref<32768x64xf32, #tpu.memory_space<hbm>> -> memref<256x64xf32, #tpu.memory_space<hbm>>
    %dma_wait3A_152 = arith.constant 0 : i32
    %dma_wait3A_153 = tpu.memref_slice %arg4[%add3A_106, %dma_wait3A_152] : memref<32768x64xf32, #tpu.memory_space<hbm>> -> memref<256x64xf32, #tpu.memory_space<hbm>>
    %dma_wait3A_154 = arith.constant 768 : i32
    %dma_wait3A_155 = arith.constant 0 : i32
    %dma_wait3A_156 = tpu.memref_slice %arg6[%dma_wait3A_154, %dma_wait3A_155] : memref<1024x64xf32, #tpu.memory_space<vmem>> -> memref<256x64xf32, #tpu.memory_space<vmem>>
    tpu.wait_dma2 semaphore(%arg9 : memref<!tpu.dma_semaphore, #tpu.memory_space<semaphore_mem>>) src(%dma_wait3A_156 : memref<256x64xf32, #tpu.memory_space<vmem>>) dst(%dma_wait3A_153 : memref<256x64xf32, #tpu.memory_space<hbm>>)
    return
  }
}

module attributes {stable_mosaic.version = 14 : i64} {
  func.func @_prep_body(%arg0: memref<1000x128xf32, #tpu.memory_space<vmem>>, %arg1: memref<1000x128xf32, #tpu.memory_space<vmem>>, %arg2: memref<128x128xf32, #tpu.memory_space<vmem>>, %arg3: memref<128x128xf32, #tpu.memory_space<vmem>>, %arg4: memref<128x128xf32, #tpu.memory_space<vmem>>, %arg5: memref<128x128xf32, #tpu.memory_space<vmem>>, %arg6: memref<1000x128xf32, #tpu.memory_space<vmem>>, %arg7: memref<128x256xi32, #tpu.memory_space<vmem>>) attributes {dimension_semantics = [], scalar_prefetch = 0 : i64, scratch_operands = 0 : i64, tpu.core_type = #tpu.core_type<tc>} {
    %get3A = arith.constant 0 : index
    %get3A_0 = arith.constant 0 : index
    %get3A_1 = vector.load %arg0[%get3A, %get3A_0] : memref<1000x128xf32, #tpu.memory_space<vmem>>, vector<1000x128xf32>
    %get3A_2 = arith.constant 0 : index
    %get3A_3 = arith.constant 0 : index
    %get3A_4 = vector.load %arg2[%get3A_2, %get3A_3] : memref<128x128xf32, #tpu.memory_space<vmem>>, vector<128x128xf32>
    %dot_general3A = arith.constant dense<0.000000e+00> : vector<1000x128xf32>
    %dot_general3A_5 = tpu.matmul %get3A_1, %get3A_4, %dot_general3A {dimension_numbers = #tpu.dot_dimension_numbers<[1], [0], [0], [1], [0, 0, 1, 1], [], []>, transpose_lhs_hint = false} : vector<1000x128xf32>, vector<128x128xf32>, vector<1000x128xf32> -> vector<1000x128xf32>
    %get3A_6 = arith.constant 0 : index
    %get3A_7 = arith.constant 0 : index
    %get3A_8 = vector.load %arg1[%get3A_6, %get3A_7] : memref<1000x128xf32, #tpu.memory_space<vmem>>, vector<1000x128xf32>
    %get3A_9 = arith.constant 0 : index
    %get3A_10 = arith.constant 0 : index
    %get3A_11 = vector.load %arg3[%get3A_9, %get3A_10] : memref<128x128xf32, #tpu.memory_space<vmem>>, vector<128x128xf32>
    %dot_general3A_12 = arith.constant dense<0.000000e+00> : vector<1000x128xf32>
    %dot_general3A_13 = tpu.matmul %get3A_8, %get3A_11, %dot_general3A_12 {dimension_numbers = #tpu.dot_dimension_numbers<[1], [0], [0], [1], [0, 0, 1, 1], [], []>, transpose_lhs_hint = false} : vector<1000x128xf32>, vector<128x128xf32>, vector<1000x128xf32> -> vector<1000x128xf32>
    %add3A = arith.addf %dot_general3A_5, %dot_general3A_13 : vector<1000x128xf32>
    %swap3A = arith.constant 0 : index
    %swap3A_14 = arith.constant 0 : index
    %swap3A_15 = vector.load %arg6[%swap3A, %swap3A_14] : memref<1000x128xf32, #tpu.memory_space<vmem>>, vector<1000x128xf32>
    tpu.vector_store %arg6[%swap3A, %swap3A_14], %add3A {strides = array<i32>} : memref<1000x128xf32, #tpu.memory_space<vmem>>, vector<1000x128xf32>,
    %iota3A = tpu.iota {dimensions = array<i32: 0>} : vector<128x256xi32>
    %iota3A_16 = tpu.iota {dimensions = array<i32: 1>} : vector<128x256xi32>
    %mul3A = arith.constant 2 : i32
    %mul3A_17 = vector.broadcast %mul3A : i32 to vector<128x256xi32>
    %mul3A_18 = arith.muli %mul3A_17, %iota3A : vector<128x256xi32>
    %eq3A = arith.cmpi eq, %iota3A_16, %mul3A_18 : vector<128x256xi32>
    %convert_element_type3A = arith.extui %eq3A : vector<128x256xi1> to vector<128x256xi32>
    %convert_element_type3A_19 = arith.sitofp %convert_element_type3A : vector<128x256xi32> to vector<128x256xf32>
    %mul3A_20 = arith.constant 2 : i32
    %mul3A_21 = vector.broadcast %mul3A_20 : i32 to vector<128x256xi32>
    %mul3A_22 = arith.muli %mul3A_21, %iota3A : vector<128x256xi32>
    %add3A_23 = arith.constant 1 : i32
    %add3A_24 = vector.broadcast %add3A_23 : i32 to vector<128x256xi32>
    %add3A_25 = arith.addi %mul3A_22, %add3A_24 : vector<128x256xi32>
    %eq3A_26 = arith.cmpi eq, %iota3A_16, %add3A_25 : vector<128x256xi32>
    %convert_element_type3A_27 = arith.extui %eq3A_26 : vector<128x256xi1> to vector<128x256xi32>
    %convert_element_type3A_28 = arith.sitofp %convert_element_type3A_27 : vector<128x256xi32> to vector<128x256xf32>
    %get3A_29 = arith.constant 0 : index
    %get3A_30 = arith.constant 0 : index
    %get3A_31 = vector.load %arg4[%get3A_29, %get3A_30] : memref<128x128xf32, #tpu.memory_space<vmem>>, vector<128x128xf32>
    %dot_general3A_32 = arith.constant dense<0.000000e+00> : vector<128x256xf32>
    %dot_general3A_33 = tpu.matmul %get3A_31, %convert_element_type3A_19, %dot_general3A_32 {dimension_numbers = #tpu.dot_dimension_numbers<[1], [0], [0], [1], [0, 0, 1, 1], [], []>, precision = #tpu.contract_precision<fp32>, transpose_lhs_hint = false} : vector<128x128xf32>, vector<128x256xf32>, vector<128x256xf32> -> vector<128x256xf32>
    %get3A_34 = arith.constant 0 : index
    %get3A_35 = arith.constant 0 : index
    %get3A_36 = vector.load %arg5[%get3A_34, %get3A_35] : memref<128x128xf32, #tpu.memory_space<vmem>>, vector<128x128xf32>
    %dot_general3A_37 = arith.constant dense<0.000000e+00> : vector<128x256xf32>
    %dot_general3A_38 = tpu.matmul %get3A_36, %convert_element_type3A_28, %dot_general3A_37 {dimension_numbers = #tpu.dot_dimension_numbers<[1], [0], [0], [1], [0, 0, 1, 1], [], []>, precision = #tpu.contract_precision<fp32>, transpose_lhs_hint = false} : vector<128x128xf32>, vector<128x256xf32>, vector<128x256xf32> -> vector<128x256xf32>
    %add3A_39 = arith.addf %dot_general3A_33, %dot_general3A_38 : vector<128x256xf32>
    %add3A_40 = arith.constant 5.000000e-01 : f32
    %add3A_41 = vector.broadcast %add3A_40 : f32 to vector<128x256xf32>
    %add3A_42 = arith.addf %add3A_39, %add3A_41 : vector<128x256xf32>
    %convert_element_type3A_43 = arith.fptosi %add3A_42 : vector<128x256xf32> to vector<128x256xi32>
    %swap3A_44 = arith.constant 0 : index
    %swap3A_45 = arith.constant 0 : index
    %swap3A_46 = vector.load %arg7[%swap3A_44, %swap3A_45] : memref<128x256xi32, #tpu.memory_space<vmem>>, vector<128x256xi32>
    tpu.vector_store %arg7[%swap3A_44, %swap3A_45], %convert_element_type3A_43 {strides = array<i32>} : memref<128x256xi32, #tpu.memory_space<vmem>>, vector<128x256xi32>,
    return
  }
}

module attributes {stable_mosaic.version = 14 : i64} {
  func.func @_pproj_body(%arg0: i32, %arg1: memref<100x4096xf32, #tpu.memory_space<vmem>>, %arg2: memref<100x64xf32, #tpu.memory_space<vmem>>, %arg3: memref<4096x64xbf16, #tpu.memory_space<vmem>>) attributes {dimension_semantics = [#tpu.dimension_semantics<arbitrary>], iteration_bounds = array<i64: 4>, scalar_prefetch = 0 : i64, scratch_operands = 0 : i64, tpu.core_type = #tpu.core_type<tc>, window_params = [{transform_indices = @transform_0, window_bounds = array<i64: 100, 4096>}, {pipeline_mode = #tpu.pipeline_mode<synchronous>, transform_indices = @transform_1, window_bounds = array<i64: 100, 64>}, {transform_indices = @transform_2, window_bounds = array<i64: 4096, 64>}]} {
    %get3A = arith.constant 0 : index
    %get3A_0 = arith.constant 0 : index
    %get3A_1 = vector.load %arg1[%get3A, %get3A_0] : memref<100x4096xf32, #tpu.memory_space<vmem>>, vector<100x4096xf32>
    %get3A_2 = arith.constant 0 : index
    %get3A_3 = arith.constant 0 : index
    %get3A_4 = vector.load %arg2[%get3A_2, %get3A_3] : memref<100x64xf32, #tpu.memory_space<vmem>>, vector<100x64xf32>
    %dot_general3A = arith.constant dense<0.000000e+00> : vector<4096x64xf32>
    %dot_general3A_5 = tpu.matmul %get3A_1, %get3A_4, %dot_general3A {dimension_numbers = #tpu.dot_dimension_numbers<[0], [0], [1], [1], [0, 1, 1, 1], [], []>, transpose_lhs_hint = false} : vector<100x4096xf32>, vector<100x64xf32>, vector<4096x64xf32> -> vector<4096x64xf32>
    %convert_element_type3A = arith.truncf %dot_general3A_5 : vector<4096x64xf32> to vector<4096x64xbf16>
    %swap3A = arith.constant 0 : index
    %swap3A_6 = arith.constant 0 : index
    %swap3A_7 = vector.load %arg3[%swap3A, %swap3A_6] : memref<4096x64xbf16, #tpu.memory_space<vmem>>, vector<4096x64xbf16>
    tpu.vector_store %arg3[%swap3A, %swap3A_6], %convert_element_type3A {strides = array<i32>} : memref<4096x64xbf16, #tpu.memory_space<vmem>>, vector<4096x64xbf16>,
    return
  }
  func.func @transform_0(%arg0: i32) -> (i32, i32) {
    %c0_i32 = arith.constant 0 : i32
    %c0_i32_0 = arith.constant 0 : i32
    return %c0_i32, %arg0 : i32, i32
  }
  func.func @transform_1(%arg0: i32) -> (i32, i32) {
    %c0_i32 = arith.constant 0 : i32
    %c0_i32_0 = arith.constant 0 : i32
    %c0_i32_1 = arith.constant 0 : i32
    return %c0_i32, %c0_i32_0 : i32, i32
  }
  func.func @transform_2(%arg0: i32) -> (i32, i32) {
    %c0_i32 = arith.constant 0 : i32
    %c0_i32_0 = arith.constant 0 : i32
    return %arg0, %c0_i32 : i32, i32
  }
}

module attributes {stable_mosaic.version = 14 : i64} {
  func.func @_mlp_body(%arg0: i32, %arg1: memref<4096x64xbf16, #tpu.memory_space<vmem>>, %arg2: memref<4096x128xf32, #tpu.memory_space<vmem>>, %arg3: memref<128x64xf32, #tpu.memory_space<vmem>>, %arg4: memref<1x64xf32, #tpu.memory_space<vmem>>, %arg5: memref<32x64xf32, #tpu.memory_space<vmem>>, %arg6: memref<1x32xf32, #tpu.memory_space<vmem>>, %arg7: memref<2x32xf32, #tpu.memory_space<vmem>>, %arg8: memref<2x1xf32, #tpu.memory_space<vmem>>, %arg9: memref<2x4096xf32, #tpu.memory_space<vmem>>) attributes {dimension_semantics = [#tpu.dimension_semantics<arbitrary>], iteration_bounds = array<i64: 4>, scalar_prefetch = 0 : i64, scratch_operands = 0 : i64, tpu.core_type = #tpu.core_type<tc>, window_params = [{transform_indices = @transform_0, window_bounds = array<i64: 4096, 64>}, {transform_indices = @transform_1, window_bounds = array<i64: 4096, 128>}, {pipeline_mode = #tpu.pipeline_mode<synchronous>, transform_indices = @transform_2, window_bounds = array<i64: 128, 64>}, {pipeline_mode = #tpu.pipeline_mode<synchronous>, transform_indices = @transform_3, window_bounds = array<i64: 1, 64>}, {pipeline_mode = #tpu.pipeline_mode<synchronous>, transform_indices = @transform_4, window_bounds = array<i64: 32, 64>}, {pipeline_mode = #tpu.pipeline_mode<synchronous>, transform_indices = @transform_5, window_bounds = array<i64: 1, 32>}, {pipeline_mode = #tpu.pipeline_mode<synchronous>, transform_indices = @transform_6, window_bounds = array<i64: 2, 32>}, {pipeline_mode = #tpu.pipeline_mode<synchronous>, transform_indices = @transform_7, window_bounds = array<i64: 2, 1>}, {transform_indices = @transform_8, window_bounds = array<i64: 2, 4096>}]} {
    %get3A = arith.constant 0 : index
    %get3A_0 = arith.constant 0 : index
    %get3A_1 = vector.load %arg2[%get3A, %get3A_0] : memref<4096x128xf32, #tpu.memory_space<vmem>>, vector<4096x128xf32>
    %get3A_2 = arith.constant 0 : index
    %get3A_3 = arith.constant 0 : index
    %get3A_4 = vector.load %arg3[%get3A_2, %get3A_3] : memref<128x64xf32, #tpu.memory_space<vmem>>, vector<128x64xf32>
    %dot_general3A = arith.constant dense<0.000000e+00> : vector<4096x64xf32>
    %dot_general3A_5 = tpu.matmul %get3A_1, %get3A_4, %dot_general3A {dimension_numbers = #tpu.dot_dimension_numbers<[1], [0], [0], [1], [0, 0, 1, 1], [], []>, transpose_lhs_hint = false} : vector<4096x128xf32>, vector<128x64xf32>, vector<4096x64xf32> -> vector<4096x64xf32>
    %get3A_6 = arith.constant 0 : index
    %get3A_7 = arith.constant 0 : index
    %get3A_8 = vector.load %arg1[%get3A_6, %get3A_7] : memref<4096x64xbf16, #tpu.memory_space<vmem>>, vector<4096x64xbf16>
    %convert_element_type3A = arith.extf %get3A_8 : vector<4096x64xbf16> to vector<4096x64xf32>
    %add3A = arith.addf %convert_element_type3A, %dot_general3A_5 : vector<4096x64xf32>
    %get3A_9 = arith.constant 0 : index
    %get3A_10 = arith.constant 0 : index
    %get3A_11 = vector.load %arg4[%get3A_9, %get3A_10] : memref<1x64xf32, #tpu.memory_space<vmem>>, vector<1x64xf32>
    %add3A_12 = vector.broadcast %get3A_11 : vector<1x64xf32> to vector<4096x64xf32>
    %add3A_13 = arith.addf %add3A, %add3A_12 : vector<4096x64xf32>
    %max3A = arith.constant 0.000000e+00 : f32
    %max3A_14 = vector.broadcast %max3A : f32 to vector<4096x64xf32>
    %max3A_15 = arith.maximumf %add3A_13, %max3A_14 : vector<4096x64xf32>
    %get3A_16 = arith.constant 0 : index
    %get3A_17 = arith.constant 0 : index
    %get3A_18 = vector.load %arg5[%get3A_16, %get3A_17] : memref<32x64xf32, #tpu.memory_space<vmem>>, vector<32x64xf32>
    %dot_general3A_19 = arith.constant dense<0.000000e+00> : vector<4096x32xf32>
    %dot_general3A_20 = tpu.matmul %max3A_15, %get3A_18, %dot_general3A_19 {dimension_numbers = #tpu.dot_dimension_numbers<[1], [1], [0], [0], [0, 0, 1, 0], [], []>, transpose_lhs_hint = false} : vector<4096x64xf32>, vector<32x64xf32>, vector<4096x32xf32> -> vector<4096x32xf32>
    %get3A_21 = arith.constant 0 : index
    %get3A_22 = arith.constant 0 : index
    %get3A_23 = vector.load %arg6[%get3A_21, %get3A_22] : memref<1x32xf32, #tpu.memory_space<vmem>>, vector<1x32xf32>
    %add3A_24 = vector.broadcast %get3A_23 : vector<1x32xf32> to vector<4096x32xf32>
    %add3A_25 = arith.addf %dot_general3A_20, %add3A_24 : vector<4096x32xf32>
    %max3A_26 = arith.constant 0.000000e+00 : f32
    %max3A_27 = vector.broadcast %max3A_26 : f32 to vector<4096x32xf32>
    %max3A_28 = arith.maximumf %add3A_25, %max3A_27 : vector<4096x32xf32>
    %get3A_29 = arith.constant 0 : index
    %get3A_30 = arith.constant 0 : index
    %get3A_31 = vector.load %arg7[%get3A_29, %get3A_30] : memref<2x32xf32, #tpu.memory_space<vmem>>, vector<2x32xf32>
    %dot_general3A_32 = arith.constant dense<0.000000e+00> : vector<2x4096xf32>
    %dot_general3A_33 = tpu.matmul %get3A_31, %max3A_28, %dot_general3A_32 {dimension_numbers = #tpu.dot_dimension_numbers<[1], [1], [0], [0], [0, 0, 1, 0], [], []>, transpose_lhs_hint = false} : vector<2x32xf32>, vector<4096x32xf32>, vector<2x4096xf32> -> vector<2x4096xf32>
    %get3A_34 = arith.constant 0 : index
    %get3A_35 = arith.constant 0 : index
    %get3A_36 = vector.load %arg8[%get3A_34, %get3A_35] : memref<2x1xf32, #tpu.memory_space<vmem>>, vector<2x1xf32>
    %add3A_37 = vector.broadcast %get3A_36 : vector<2x1xf32> to vector<2x4096xf32>
    %add3A_38 = arith.addf %dot_general3A_33, %add3A_37 : vector<2x4096xf32>
    %swap3A = arith.constant 0 : index
    %swap3A_39 = arith.constant 0 : index
    %swap3A_40 = vector.load %arg9[%swap3A, %swap3A_39] : memref<2x4096xf32, #tpu.memory_space<vmem>>, vector<2x4096xf32>
    tpu.vector_store %arg9[%swap3A, %swap3A_39], %add3A_38 {strides = array<i32>} : memref<2x4096xf32, #tpu.memory_space<vmem>>, vector<2x4096xf32>,
    return
  }
  func.func @transform_0(%arg0: i32) -> (i32, i32) {
    %c0_i32 = arith.constant 0 : i32
    %c0_i32_0 = arith.constant 0 : i32
    return %arg0, %c0_i32 : i32, i32
  }
  func.func @transform_1(%arg0: i32) -> (i32, i32) {
    %c0_i32 = arith.constant 0 : i32
    %c0_i32_0 = arith.constant 0 : i32
    return %arg0, %c0_i32 : i32, i32
  }
  func.func @transform_2(%arg0: i32) -> (i32, i32) {
    %c0_i32 = arith.constant 0 : i32
    %c0_i32_0 = arith.constant 0 : i32
    %c0_i32_1 = arith.constant 0 : i32
    return %c0_i32, %c0_i32_0 : i32, i32
  }
  func.func @transform_3(%arg0: i32) -> (i32, i32) {
    %c0_i32 = arith.constant 0 : i32
    %c0_i32_0 = arith.constant 0 : i32
    %c0_i32_1 = arith.constant 0 : i32
    return %c0_i32, %c0_i32_0 : i32, i32
  }
  func.func @transform_4(%arg0: i32) -> (i32, i32) {
    %c0_i32 = arith.constant 0 : i32
    %c0_i32_0 = arith.constant 0 : i32
    %c0_i32_1 = arith.constant 0 : i32
    return %c0_i32, %c0_i32_0 : i32, i32
  }
  func.func @transform_5(%arg0: i32) -> (i32, i32) {
    %c0_i32 = arith.constant 0 : i32
    %c0_i32_0 = arith.constant 0 : i32
    %c0_i32_1 = arith.constant 0 : i32
    return %c0_i32, %c0_i32_0 : i32, i32
  }
  func.func @transform_6(%arg0: i32) -> (i32, i32) {
    %c0_i32 = arith.constant 0 : i32
    %c0_i32_0 = arith.constant 0 : i32
    %c0_i32_1 = arith.constant 0 : i32
    return %c0_i32, %c0_i32_0 : i32, i32
  }
  func.func @transform_7(%arg0: i32) -> (i32, i32) {
    %c0_i32 = arith.constant 0 : i32
    %c0_i32_0 = arith.constant 0 : i32
    %c0_i32_1 = arith.constant 0 : i32
    return %c0_i32, %c0_i32_0 : i32, i32
  }
  func.func @transform_8(%arg0: i32) -> (i32, i32) {
    %c0_i32 = arith.constant 0 : i32
    %c0_i32_0 = arith.constant 0 : i32
    return %c0_i32, %arg0 : i32, i32
  }
}

</mosaic_0001>

<sc_bundles>
// kernel: kernel.6.cloned.1.call-start
scs
__scs_entry_jumppad:
0x0: {  	(pc) =	sbr.rel $0x88, $3  }
0x1: {  	(tag) =	ssettag $0x0;
	lr =	simm.s32 $0x1  }
0x2: {  	[smem:$0x3F97] =	sst lr;
	_ =	strace $0xD0000000  }
0x3: {  	_ = 	snop  }
0x4: {  	_ = 	snop  }
0x5: {  	_ = 	snop  }
0x6: {  	_ = 	snop  }
0x7: {  	_ = 	snop  }
__scs_overlays_trampoline_lowered:
0x8: {  	[smem:$0x3FA6] =	sst s0  }
0x9: {  	[smem:$0x3FA7] =	sst s1  }
0xa: {  	[smem:$0x3FA8] =	sst s2  }
0xb: {  	[smem:$0x3FA9] =	sst s3  }
0xc: {  	[smem:$0x3FAA] =	sst s4  }
0xd: {  	[smem:$0x3FAB] =	sst s5  }
0xe: {  	[smem:$0x3FAC] =	sst s6  }
0xf: {  	[smem:$0x3FAD] =	sst s7  }
0x10: {  	[smem:$0x3FAE] =	sst s8  }
0x11: {  	[smem:$0x3FAF] =	sst s9;
	s0 =	simm.s32 @!p0 $0x0  }
0x12: {  	s1 =	sld [smem:$0x3F95];
	s0 =	simm.s32 @p0 $0x1  }
0x13: {  	[smem:$0x3FB0] =	sst s0;
	s0 =	simm.s32 @!p1 $0x0  }
0x14: {  	s2 =	sld [smem:$0x3F94];
	s0 =	simm.s32 @p1 $0x1  }
0x15: {  	[smem:$0x3FB1] =	sst s0;
	s0 =	simm.s32 @!p2 $0x0  }
0x16: {  	s3 =	sld [smem:$0x3FDB];
	s0 =	simm.s32 @p2 $0x1  }
0x17: {  	s4 =	simm.s32 $0x1BF5;
	[smem:$0x3FB3] =	sst s0  }
0x18: {  	s0 =	sld [smem:$0x3F96];
	_ =	swait.ge [sflag:s4], $0x0  }
0x19: {  	s7 =	sld [smem:$0x3F97]  }
0x1a: {  	s8 =	sadd.s32 $0xFFFFE003, lr  }
0x1b: {  	s9 =	sadd.s32 $0xFFFFFEF7, lr;
	s5 =	simm.s32 $0xFFFFFFFF;
	p2 =	slt.u32 s8, $0xFFFFF086  }
0x1c: {  	p1 =	slt.u32 s9, $0xF7A;
	s5 =	simm.s32 @!p2 $0x0  }
0x1d: {  	s5 =	simm.s32 @p1 $0x1;
	p0 =	seq.s32 s7, s2  }
0x1e: {  	s7 =	smul.u32 @!p0 $0xF7A, s2;
	p2 =	seq.s32 @!p0 s5, $0x0  }
0x1f: {  	s9 =	smul.u32 $0xF7A, s1;
	s8 =	simm.s32 @!p0 $0x1BF5;
	p2 =	por !p2, p0  }
0x20: {  	[sflag:s8] =	ssyncset.s32 @!p0 $0xFFFFF086;
	s6 =	sadd.s32 @!p0 s3, s7;
	s7 =	simm.s32 @!p0 $0x108  }
0x21: {  	s3 =	sadd.s32 s3, s9;
	s6 =	sadd.s32 @!p0 $0x88, s6;
	s7 =	simm.s32 @p2 $0x1082  }
0x22: {  	[simem:s7], [sflag:s8] =	dma.local @!p0 [hbm:s6], $0xF7A  }
0x23: {  	s9 =	sor.u32 $0xD0000000, s2;
	s6 =	simm.s32 $0x108;
	_ =	swait.ge @!p0 [sflag:s8], $0x0  }
0x24: {  	s3 =	sadd.s32 $0x88, s3;
	s6 =	simm.s32 @!p1 $0x1082;
	[sflag:s4] =	ssyncset.s32 $0xFFFFF086  }
0x25: {  	[simem:s6], [sflag:s4] =	dma.local [hbm:s3], $0xF7A  }
0x26: {  	[smem:$0x3F97] =	sst s1;
	(tag) =	ssettag s2;
	_ =	strace s9  }
0x27: {  	s1 =	sld [smem:$0x3FA7]  }
0x28: {  	s2 =	sld [smem:$0x3FA8]  }
0x29: {  	s4 =	sld [smem:$0x3FAA]  }
0x2a: {  	p0 =	seq.s32 s5, $0x0;
	s5 =	sld [smem:$0x3FAB]  }
0x2b: {  	s6 =	sld [smem:$0x3FAC]  }
0x2c: {  	s7 =	sld [smem:$0x3FAD]  }
0x2d: {  	s3 =	simm.s32 $0x108;
	s8 =	sld [smem:$0x3FAE]  }
0x2e: {  	s3 =	simm.s32 @!p0 $0x1082;
	s9 =	sld [smem:$0x3FAF]  }
0x2f: {  	lr =	sadd.s32 s0, s3;
	s0 =	sld [smem:$0x3FA6]  }
0x30: {  	s3 =	sld [smem:$0x3FA9]  }
0x31: {  	[smem:$0x3FB2] =	sst s10  }
0x32: {  	s10 =	sld [smem:$0x3FB0];
	_ =	sdelay $0x3  }
0x33: {  	p0 =	seq.s32 s10, $0x1;
	s10 =	sld [smem:$0x3FB2];
	_ =	sdelay $0x3  }
0x34: {  	[smem:$0x3FB2] =	sst s10  }
0x35: {  	s10 =	sld [smem:$0x3FB1];
	_ =	sdelay $0x3  }
0x36: {  	p1 =	seq.s32 s10, $0x1;
	s10 =	sld [smem:$0x3FB2];
	_ =	sdelay $0x3  }
0x37: {  	[smem:$0x3FB2] =	sst s10  }
0x38: {  	s10 =	sld [smem:$0x3FB3]  }
0x39: {  	_ = 	snop;
	(pc) =	sbr.ind lr, $3  }
0x3a: {  	_ = 	snop  }
0x3b: {  	_ = 	snop  }
0x3c: {  	p2 =	seq.s32 s10, $0x1;
	s10 =	sld [smem:$0x3FB2]  }
0x3d: {  	_ =	shalt  }
0x3e: {  	_ =	shalt  }
0x3f: {  	_ =	shalt  }
0x40: {  	_ =	shalt  }
0x41: {  	_ =	shalt  }
0x42: {  	_ =	shalt  }
0x43: {  	_ =	shalt  }
0x44: {  	_ =	shalt  }
0x45: {  	_ =	shalt  }
0x46: {  	_ =	shalt  }
0x47: {  	_ =	shalt  }
0x48: {  	_ =	shalt  }
0x49: {  	_ =	shalt  }
0x4a: {  	_ =	shalt  }
0x4b: {  	_ =	shalt  }
0x4c: {  	_ =	shalt  }
0x4d: {  	_ =	shalt  }
0x4e: {  	_ =	shalt  }
0x4f: {  	_ =	shalt  }
0x50: {  	_ =	shalt  }
0x51: {  	_ =	shalt  }
0x52: {  	_ =	shalt  }
0x53: {  	_ =	shalt  }
0x54: {  	_ =	shalt  }
0x55: {  	_ =	shalt  }
0x56: {  	_ =	shalt  }
0x57: {  	_ =	shalt  }
0x58: {  	_ =	shalt  }
0x59: {  	_ =	shalt  }
0x5a: {  	_ =	shalt  }
0x5b: {  	_ =	shalt  }
0x5c: {  	_ =	shalt  }
0x5d: {  	_ =	shalt  }
0x5e: {  	_ =	shalt  }
0x5f: {  	_ =	shalt  }
0x60: {  	_ =	shalt  }
0x61: {  	_ =	shalt  }
0x62: {  	_ =	shalt  }
0x63: {  	_ =	shalt  }
0x64: {  	_ =	shalt  }
0x65: {  	_ =	shalt  }
0x66: {  	_ =	shalt  }
0x67: {  	_ =	shalt  }
0x68: {  	_ =	shalt  }
0x69: {  	_ =	shalt  }
0x6a: {  	_ =	shalt  }
0x6b: {  	_ =	shalt  }
0x6c: {  	_ =	shalt  }
0x6d: {  	_ =	shalt  }
0x6e: {  	_ =	shalt  }
0x6f: {  	_ =	shalt  }
0x70: {  	_ =	shalt  }
0x71: {  	_ =	shalt  }
0x72: {  	_ =	shalt  }
0x73: {  	_ =	shalt  }
0x74: {  	_ =	shalt  }
0x75: {  	_ =	shalt  }
0x76: {  	_ =	shalt  }
0x77: {  	_ =	shalt  }
0x78: {  	_ =	shalt  }
0x79: {  	_ =	shalt  }
0x7a: {  	_ =	shalt  }
0x7b: {  	_ =	shalt  }
0x7c: {  	_ =	shalt  }
0x7d: {  	_ =	shalt  }
0x7e: {  	_ =	shalt  }
0x7f: {  	_ =	shalt  }
0x80: {  	_ =	shalt  }
0x81: {  	_ =	shalt  }
0x82: {  	_ =	shalt  }
0x83: {  	_ =	shalt  }
0x84: {  	_ =	shalt  }
0x85: {  	_ =	shalt  }
0x86: {  	_ =	shalt  }
0x87: {  	_ =	shalt  }
.Lfunc_end0:
.L_simem_size_0:
called_computation_lowered:
.L_overlay_start_0:
0x88: {  	s2 =	sld [smem:$0x3FD9]  }
0x89: {  	s3 =	sld [smem:$0x3FFE];
	_ =	sdelay $0x1  }
0x8a: {  	s1 =	srdreg.scid  }
0x8b: {  	s0 =	sand.u32 $0x1, s1  }
0x8c: {  	s17 =	sshll.u32 s0, $0xA;
	s2 =	sadd.s32 s3, s2  }
0x8d: {  	s2 =	sadd.s32 s2, s17  }
0x8e: {  	[smem:$0x3FBE] =	sst s2  }
0x8f: {  	_ = 	snop  }
0x90: {  	s2 =	sld [smem:$0x3FD0];
	(tm) =	ssettm $0x1  }
0x91: {  	s18 =	sld [smem:$0x3FFB];
	_ =	sdelay $0x3  }
0x92: {  	_ =	strace s18  }
0x93: {  	s3 =	sld [smem:$0x3FFC];
	_ =	sdelay $0x3  }
0x94: {  	_ =	strace s3  }
0x95: {  	s3 =	sld [smem:$0x3FFD];
	_ =	sdelay $0x3  }
0x96: {  	_ =	strace s3  }
0x97: {  	_ =	strace $0x8FFFFFFF  }
0x98: {  	s19 =	sld [smem:$0x3FDB];
	_ =	sdelay $0x1  }
0x99: {  	s4 =	simm.s32 $_scs_section_size  }
0x9a: {  	s5 =	simm.s32 $_size__tile_overlayer_lowered;
	s6 =	simm.s32 $_tile_overlayer_lowered  }
0x9b: {  	s22 =	simm.s32 $0x1BFF;
	s21 =	sshll.u32 s6, $0x1;
	s3 =	sadd.s32 s4, s19  }
0x9c: {  	s7 =	simm.s32 $0x0;
	s20 =	sshll.u32 s5, $0x1;
	s5 =	sadd.s32 s21, s3  }
0x9d: {  	[timem:s7], [sflag:s22] =	dma.local [hbm:s5], s20  }
0x9e: {  	_ =	swait.ge [sflag:s22], s20  }
0x9f: {  	s4 =	ssub.s32 $0x0, s20;
	[sflag:s22] =	ssyncset.done $0x0  }
0xa0: {  	[sflag:s22] =	ssyncadd.s32 s4;
	_ =	sdelay $0x1  }
0xa1: {  	s23 =	simm.s32 $0x1B8B  }
0xa2: {  	_ =	swait.ge [sflag:s23], $0x1  }
0xa3: {  	[sflag:s23] =	ssyncset.done $0x0  }
0xa4: {  	s25 =	simm.s32 $0x1B8E;
	s24 =	sld [smem:$0x3FFE];
	[sflag:s23] =	ssyncadd.s32 $0xFFFFFFFF  }
0xa5: {  	s26 =	simm.s32 $execute0_lowered;
	[smem:$0x3FD2] =	sst s25  }
0xa6: {  	s5 =	sshll.u32 s26, $0x1;
	_ =	strace $0x80000046;
	[dreg:$0x1] =	wrdreg $0xFFFFFFFF  }
0xa7: {  	s28 =	simm.s32 $_size_execute0_lowered;
	s3 =	sadd.s32 s3, s5;
	[dreg:$0x0] =	wrdreg $0x0  }
0xa8: {  	s5 =	sshll.u32 s28, $0x1;
	[dreg:$0x2] =	wrdreg s3  }
0xa9: {  	[dreg:$0x3] =	wrdreg s5  }
0xaa: {  	[dreg:$0x4] =	wrdreg $0xC0  }
0xab: {  	_ =	task [dreg:s7], $0x5FFFF  }
0xac: {  	[dreg:$0x1] =	wrdreg $0xFFFFFFFF  }
0xad: {  	[dreg:$0x0] =	wrdreg $0x60  }
0xae: {  	[dreg:$0x2] =	wrdreg s24  }
0xaf: {  	[dreg:$0x3] =	wrdreg s2  }
0xb0: {  	[dreg:$0x4] =	wrdreg $0x104000  }
0xb1: {  	[dreg:$0x5] =	wrdreg $0x9  }
0xb2: {  	_ =	task.clear_ibuf [dreg:s7], $0x6FFFF;
	_ =	strace $0x90000046  }
0xb3: {  	s29 =	simm.s32 $0x9;
	_ =	strace $0x80000048  }
0xb4: {  	_ =	swait.ge [sflag:s29], $0x1  }
0xb5: {  	[sflag:s29] =	ssyncadd.s32 $0xFFFFFFFF  }
0xb6: {  	_ =	strace $0x90000048  }
0xb7: {  	_ =	sfence  }
0xb8: {  	s30 =	sld [smem:$0x0];
	_ =	sdelay $0x2  }
0xb9: {  	s31 =	sshll.u32 s1, $0xD;
	s1 =	sshrl.u32 s1, $0x2  }
0xba: {  	s3 =	sand.u32 $0x4000, s31;
	s1 =	sadd.s32 s1, s30  }
0xbb: {  	s0 =	sor.u32 s3, s0;
	s1 =	sshll.u32 s1, $0x11  }
0xbc: {  	s0 =	sor.u32 s1, s0  }
0xbd: {  	s0 =	sadd.s32 $0x8F2B, s0  }
0xbe: {  	[sflag:s0] =	ssyncadd.remote.s32 $0x1  }
0xbf: {  	_ =	sfence.sel $0xFFFF  }
0xc0: {  	[dreg:$0x0] =	wrdreg $0xFFFFFFFF;
	(pc) =	sbr.abs _section_cstart, $3  }
0xc1: {  	[dreg:$0x1] =	wrdreg $0xFFFFFFFF  }
0xc2: {  	_ =	task.clear_ibuf [dreg:s7], $0x2FFFF;
	_ =	strace $0x9FFFFFFF  }
0xc3: {  	(tm) =	ssettm $0x7FFFFFFF  }
tec
execute0_lowered:
.L_overlay_start_1:
0x0: {  	(tag) =	ssettag $0x1  }
0x1: {  	s3 =	rddreg [dreg:$0x0]  }
0x2: {  	s4 =	rddreg [dreg:$0x1]  }
0x3: {  	s2 =	rddreg [dreg:$0x2]  }
0x4: {  	s0 =	rddreg [dreg:$0x3];
	s5 =	srdreg.scid;
	s1 =	simm.s32 $0x0  }
0x5: {  	s8 =	stileid.u32;
	s16 =	simm.s32 $0x3;
	s5 =	sand.u32 $0x1, s5  }
0x6: {  	s15 =	simm.s32 $0x100;
	s7 =	sshll.u32 s5, $0xA;
	s5 =	ssub.s32 $0x2, s5  }
0x7: {  	s13 =	simm.s32 $0x400;
	s10 =	simm.s32 $0x4400;
	s9 =	sshrl.u32 s5, $0x1  }
0x8: {  	s17 =	simm.s32 $0x200;
	s18 =	simm.s32 $0x300;
	s5 =	ssub.s32 s5, s9  }
0x9: {  	s11 =	simm.s32 $0x1;
	p1 =	por $0x0, $0x0;
	s5 =	smax.u32 s5, $0x1  }
0xa: {  	[smem:$0x7FF] =	sst s1;
	s6 =	sshll.u32 s8, $0xB;
	s22 =	sadd.s32 $0xFFFFFFFF, s5  }
0xb: {  	s12 =	sadd.s32 $0x2800, s3;
	p0 =	sne.s32 s8, $0x0;
	p2 =	sne.s32 s22, $0x0  }
.Ltmp0:
0xc: {  	s8 =	simm.s32 $0xC400;
	s6 =	sor.u32 s7, s6;
	(pc) =	sbr.rel @!p2 .LBB2_3-.Ltmp0, $4  }
0xd: {  	_ =	strace $0x80000047;
	s19 =	sshrl.u32 @!p0 s2, $0x3;
	s7 =	sshll.u32 s6, $0x3  }
0xe: {  	s6 =	sshrl.u32 s6, $0x3;
	s9 =	simm.s32 $0x8400;
	s3 =	sadd.s32 s7, s3  }
0xf: {  	s14 =	sadd.s32 s4, s6;
	s7 =	sadd.s32 $0x6800, s3;
	s6 =	sadd.s32 $0x7000, s3  }
0x10: {  	s4 =	sadd.s32 $0x7800, s3;
	s3 =	sadd.s32 $0x8000, s3;
	s5 =	simm.s32 $0x2  }
0x11: {  	s20 =	simm.s32 @!p0 $0x1C03;
	s21 =	simm.s32 @!p0 $0x3  }
0x12: {  	[spmem:s19], [sflag:s20] =	dma.local @!p0 [hbm:s12], $0x3E80  }
0x13: {  	_ =	swait.ge @!p0 [sflag:s21], $0x3E80  }
0x14: {  	[sflag:s21] =	ssyncset.done @!p0 $0x0  }
0x15: {  	[sflag:s21] =	ssyncadd.s32 @!p0 $0xFFFFC180  }
0x16: {  	[tilespmem:s1], [sflag:$0x3] =	stream.linear.gather [hbm4b:s14+s1], $0x400, $0x38;
	[tilespmem:$0x12340] =	vst v63  }
0x17: {  	_ =	swait.ge [sflag:s16], $0x400  }
0x18: {  	[sflag:s16] =	ssyncset.done $0x0  }
0x19: {  	[sflag:s16] =	ssyncadd.s32 $0xFFFFFC00  }
0x1a: {  	[bflag:$0x0] =	sbarrier.arrive $0xFFFF  }
0x1b: {  	[tilespmem:s13], [sflag:$0x1] =	stream.indirect.gather [spmem:s2], $0x40, s1, s15, $0xb8;
	[tilespmem:$0x12340] =	vst v63  }
0x1c: {  	_ = 	snop  }
0x1d: {  	[tilespmem:s10], [sflag:$0x1] =	stream.indirect.gather [spmem:s2], $0x40, s15, s15, $0xb8;
	[tilespmem:$0x12340] =	vst v63  }
0x1e: {  	_ = 	snop  }
0x1f: {  	[tilespmem:s9], [sflag:$0x1] =	stream.indirect.gather [spmem:s2], $0x40, s17, s15, $0xb8;
	[tilespmem:$0x12340] =	vst v63  }
0x20: {  	_ = 	snop  }
0x21: {  	[tilespmem:s8], [sflag:$0x1] =	stream.indirect.gather [spmem:s2], $0x40, s18, s15, $0xb8;
	[tilespmem:$0x12340] =	vst v63  }
0x22: {  	_ =	swait.ge [sflag:s11], $0x4000  }
0x23: {  	[sflag:s11] =	ssyncset.done $0x0  }
0x24: {  	[sflag:s11] =	ssyncadd.s32 $0xFFFFC000  }
0x25: {  	[hbm4b:s7+s1] =	stream.linear.scatter [tilespmem:s13], [sflag:$0x2], $0x4000, $0x38;
	[tilespmem:$0x12340] =	vst v63  }
0x26: {  	_ =	swait.ge [sflag:s11], $0x4000  }
0x27: {  	[sflag:s11] =	ssyncset.done $0x0  }
0x28: {  	[sflag:s11] =	ssyncadd.s32 $0xFFFFC000  }
0x29: {  	[hbm4b:s6+s1] =	stream.linear.scatter [tilespmem:s10], [sflag:$0x2], $0x4000, $0x38;
	[tilespmem:$0x12340] =	vst v63  }
0x2a: {  	_ =	swait.ge [sflag:s11], $0x4000  }
0x2b: {  	[sflag:s11] =	ssyncset.done $0x0  }
0x2c: {  	[sflag:s11] =	ssyncadd.s32 $0xFFFFC000  }
0x2d: {  	[hbm4b:s4+s1] =	stream.linear.scatter [tilespmem:s9], [sflag:$0x2], $0x4000, $0x38;
	[tilespmem:$0x12340] =	vst v63  }
0x2e: {  	_ =	swait.ge [sflag:s11], $0x4000  }
0x2f: {  	[sflag:s11] =	ssyncset.done $0x0  }
0x30: {  	[sflag:s11] =	ssyncadd.s32 $0xFFFFC000  }
0x31: {  	[hbm4b:s3+s1] =	stream.linear.scatter [tilespmem:s8], [sflag:$0x2], $0x4000, $0x38;
	[tilespmem:$0x12340] =	vst v63  }
0x32: {  	_ =	swait.ge [sflag:s5], $0x4000  }
0x33: {  	[sflag:s5] =	ssyncset.done $0x0  }
0x34: {  	[sflag:s5] =	ssyncadd.s32 $0xFFFFC000  }
0x35: {  	_ =	swait.ge [sflag:s5], $0x4000  }
0x36: {  	s22 =	sadd.s32 $0xFFFFFFFF, s22;
	[sflag:s5] =	ssyncset.done $0x0  }
0x37: {  	p2 =	sne.s32 s22, $0x0;
	[sflag:s5] =	ssyncadd.s32 $0xFFFFC000  }
.Ltmp1:
0x38: {  	_ =	swait.ge [sflag:s5], $0x4000;
	(pc) =	sbr.rel @!p2 .LBB2_3-.Ltmp1, $4  }
0x39: {  	[sflag:s5] =	ssyncset.done $0x0  }
0x3a: {  	[sflag:s5] =	ssyncadd.s32 $0xFFFFC000  }
0x3b: {  	_ =	swait.ge [sflag:s5], $0x4000  }
0x3c: {  	p1 =	por $0x1, $0x1;
	[sflag:s5] =	ssyncset.done $0x0  }
.LBB2_2:
0x3d: {  	[sflag:s5] =	ssyncadd.s32 $0xFFFFC000  }
0x3e: {  	[spmem:s19], [sflag:s20] =	dma.local @!p0 [hbm:s12], $0x3E80  }
0x3f: {  	s22 =	sadd.s32 $0xFFFFFFFF, s22;
	_ =	swait.ge @!p0 [sflag:s21], $0x3E80  }
0x40: {  	p2 =	sne.s32 s22, $0x0;
	[sflag:s21] =	ssyncset.done @!p0 $0x0  }
0x41: {  	[sflag:s21] =	ssyncadd.s32 @!p0 $0xFFFFC180  }
0x42: {  	[tilespmem:s1], [sflag:$0x3] =	stream.linear.gather [hbm4b:s14+s1], $0x400, $0x38;
	[tilespmem:$0x12340] =	vst v63  }
0x43: {  	_ =	swait.ge [sflag:s16], $0x400  }
0x44: {  	[sflag:s16] =	ssyncset.done $0x0  }
0x45: {  	[sflag:s16] =	ssyncadd.s32 $0xFFFFFC00  }
0x46: {  	[bflag:$0x0] =	sbarrier.arrive $0xFFFF  }
0x47: {  	[tilespmem:s13], [sflag:$0x1] =	stream.indirect.gather [spmem:s2], $0x40, s1, s15, $0xb8;
	[tilespmem:$0x12340] =	vst v63  }
0x48: {  	_ = 	snop  }
0x49: {  	[tilespmem:s10], [sflag:$0x1] =	stream.indirect.gather [spmem:s2], $0x40, s15, s15, $0xb8;
	[tilespmem:$0x12340] =	vst v63  }
0x4a: {  	_ = 	snop  }
0x4b: {  	[tilespmem:s9], [sflag:$0x1] =	stream.indirect.gather [spmem:s2], $0x40, s17, s15, $0xb8;
	[tilespmem:$0x12340] =	vst v63  }
0x4c: {  	_ = 	snop  }
0x4d: {  	[tilespmem:s8], [sflag:$0x1] =	stream.indirect.gather [spmem:s2], $0x40, s18, s15, $0xb8;
	[tilespmem:$0x12340] =	vst v63  }
0x4e: {  	_ =	swait.ge [sflag:s11], $0x4000  }
0x4f: {  	[sflag:s11] =	ssyncset.done $0x0  }
0x50: {  	[sflag:s11] =	ssyncadd.s32 $0xFFFFC000  }
0x51: {  	[hbm4b:s7+s1] =	stream.linear.scatter [tilespmem:s13], [sflag:$0x2], $0x4000, $0x38;
	[tilespmem:$0x12340] =	vst v63  }
0x52: {  	_ =	swait.ge [sflag:s11], $0x4000  }
0x53: {  	[sflag:s11] =	ssyncset.done $0x0  }
0x54: {  	[sflag:s11] =	ssyncadd.s32 $0xFFFFC000  }
0x55: {  	[hbm4b:s6+s1] =	stream.linear.scatter [tilespmem:s10], [sflag:$0x2], $0x4000, $0x38;
	[tilespmem:$0x12340] =	vst v63  }
0x56: {  	_ =	swait.ge [sflag:s11], $0x4000  }
0x57: {  	[sflag:s11] =	ssyncset.done $0x0  }
0x58: {  	[sflag:s11] =	ssyncadd.s32 $0xFFFFC000  }
0x59: {  	[hbm4b:s4+s1] =	stream.linear.scatter [tilespmem:s9], [sflag:$0x2], $0x4000, $0x38;
	[tilespmem:$0x12340] =	vst v63  }
0x5a: {  	_ =	swait.ge [sflag:s11], $0x4000  }
0x5b: {  	[sflag:s11] =	ssyncset.done $0x0  }
0x5c: {  	[sflag:s11] =	ssyncadd.s32 $0xFFFFC000  }
0x5d: {  	[hbm4b:s3+s1] =	stream.linear.scatter [tilespmem:s8], [sflag:$0x2], $0x4000, $0x38;
	[tilespmem:$0x12340] =	vst v63  }
0x5e: {  	_ =	swait.ge [sflag:s5], $0x4000  }
0x5f: {  	[sflag:s5] =	ssyncset.done $0x0  }
0x60: {  	[sflag:s5] =	ssyncadd.s32 $0xFFFFC000  }
0x61: {  	_ =	swait.ge [sflag:s5], $0x4000  }
0x62: {  	[sflag:s5] =	ssyncset.done $0x0  }
0x63: {  	[sflag:s5] =	ssyncadd.s32 $0xFFFFC000  }
.Ltmp2:
0x64: {  	_ =	swait.ge [sflag:s5], $0x4000;
	(pc) =	sbr.rel @p2 .LBB2_2-.Ltmp2, $4  }
0x65: {  	[sflag:s5] =	ssyncset.done $0x0  }
0x66: {  	[sflag:s5] =	ssyncadd.s32 $0xFFFFC000  }
0x67: {  	_ =	swait.ge [sflag:s5], $0x4000  }
0x68: {  	[sflag:s5] =	ssyncset.done $0x0  }
.LBB2_3:
0x69: {  	s20 =	simm.s32 @!p0 $0x1C03;
	s21 =	simm.s32 @!p0 $0x3;
	[sflag:s5] =	ssyncadd.s32 @p1 $0xFFFFC000  }
0x6a: {  	[spmem:s19], [sflag:s20] =	dma.local @!p0 [hbm:s12], $0x3E80  }
0x6b: {  	_ =	swait.ge @!p0 [sflag:s21], $0x3E80  }
0x6c: {  	[sflag:s21] =	ssyncset.done @!p0 $0x0  }
0x6d: {  	[sflag:s21] =	ssyncadd.s32 @!p0 $0xFFFFC180  }
0x6e: {  	[tilespmem:s1], [sflag:$0x3] =	stream.linear.gather [hbm4b:s14+s1], $0x400, $0x38;
	[tilespmem:$0x12340] =	vst v63  }
0x6f: {  	_ =	swait.ge [sflag:s16], $0x400  }
0x70: {  	[sflag:s16] =	ssyncset.done $0x0  }
0x71: {  	[sflag:s16] =	ssyncadd.s32 $0xFFFFFC00  }
0x72: {  	[bflag:$0x0] =	sbarrier.arrive $0xFFFF  }
0x73: {  	[tilespmem:s13], [sflag:$0x1] =	stream.indirect.gather [spmem:s2], $0x40, s1, s15, $0xb8;
	[tilespmem:$0x12340] =	vst v63  }
0x74: {  	_ = 	snop  }
0x75: {  	[tilespmem:s10], [sflag:$0x1] =	stream.indirect.gather [spmem:s2], $0x40, s15, s15, $0xb8;
	[tilespmem:$0x12340] =	vst v63  }
0x76: {  	_ = 	snop  }
0x77: {  	[tilespmem:s9], [sflag:$0x1] =	stream.indirect.gather [spmem:s2], $0x40, s17, s15, $0xb8;
	[tilespmem:$0x12340] =	vst v63  }
0x78: {  	_ = 	snop  }
0x79: {  	[tilespmem:s8], [sflag:$0x1] =	stream.indirect.gather [spmem:s2], $0x40, s18, s15, $0xb8;
	[tilespmem:$0x12340] =	vst v63  }
0x7a: {  	_ =	swait.ge [sflag:s11], $0x4000  }
0x7b: {  	[sflag:s11] =	ssyncset.done $0x0  }
0x7c: {  	[sflag:s11] =	ssyncadd.s32 $0xFFFFC000  }
0x7d: {  	[hbm4b:s7+s1] =	stream.linear.scatter [tilespmem:s13], [sflag:$0x2], $0x4000, $0x38;
	[tilespmem:$0x12340] =	vst v63  }
0x7e: {  	_ =	swait.ge [sflag:s11], $0x4000  }
0x7f: {  	[sflag:s11] =	ssyncset.done $0x0  }
0x80: {  	[sflag:s11] =	ssyncadd.s32 $0xFFFFC000  }
0x81: {  	[hbm4b:s6+s1] =	stream.linear.scatter [tilespmem:s10], [sflag:$0x2], $0x4000, $0x38;
	[tilespmem:$0x12340] =	vst v63  }
0x82: {  	_ =	swait.ge [sflag:s11], $0x4000  }
0x83: {  	[sflag:s11] =	ssyncset.done $0x0  }
0x84: {  	[sflag:s11] =	ssyncadd.s32 $0xFFFFC000  }
0x85: {  	[hbm4b:s4+s1] =	stream.linear.scatter [tilespmem:s9], [sflag:$0x2], $0x4000, $0x38;
	[tilespmem:$0x12340] =	vst v63  }
0x86: {  	_ =	swait.ge [sflag:s11], $0x4000  }
0x87: {  	[sflag:s11] =	ssyncset.done $0x0  }
0x88: {  	[sflag:s11] =	ssyncadd.s32 $0xFFFFC000  }
0x89: {  	[hbm4b:s3+s1] =	stream.linear.scatter [tilespmem:s8], [sflag:$0x2], $0x4000, $0x38;
	[tilespmem:$0x12340] =	vst v63  }
0x8a: {  	_ =	swait.ge [sflag:s5], $0x4000  }
0x8b: {  	[sflag:s5] =	ssyncset.done $0x0  }
0x8c: {  	[sflag:s5] =	ssyncadd.s32 $0xFFFFC000  }
0x8d: {  	_ =	swait.ge [sflag:s5], $0x4000  }
0x8e: {  	[sflag:s5] =	ssyncset.done $0x0  }
0x8f: {  	[sflag:s5] =	ssyncadd.s32 $0xFFFFC000  }
0x90: {  	_ =	swait.ge [sflag:s5], $0x4000  }
0x91: {  	[sflag:s5] =	ssyncset.done $0x0  }
0x92: {  	[sflag:s5] =	ssyncadd.s32 $0xFFFFC000  }
0x93: {  	_ =	swait.ge [sflag:s5], $0x4000  }
0x94: {  	[sflag:s5] =	ssyncset.done $0x0  }
0x95: {  	[sflag:s5] =	ssyncadd.s32 $0xFFFFC000  }
0x96: {  	_ =	sfence.sel $0x180000  }
0x97: {  	[bflag:$0x0] =	sbarrier.arrive $0xFFFF  }
0x98: {  	_ =	strace $0x90000047  }
0x99: {  	s0 =	sadd.s32 @!p0 $0x100000, s0;
	[bflag:$0x2] =	sbarrier.arrive $0xFFFF  }
0x9a: {  	[sflag:s0] =	ssyncadd.tile.s32 @!p0 $0x1;
	_ =	shalt  }
.Lfunc_end2:
_tile_overlayer_lowered:
.L_overlay_start_2:
0x9b: {  	(tag) =	ssettag $0x2  }
0x9c: {  	s0 =	rddreg [dreg:$0x0];
	s2 =	stileid.u32  }
0x9d: {  	s1 =	rddreg [dreg:$0x1];
	p0 =	sne.s32 s2, $0x0  }
0x9e: {  	s3 =	rddreg [dreg:$0x2];
	[bflag:$0x3] =	sbarrier.arrive $0xFFFF;
	s2 =	simm.s32 @!p0 $0x1C03  }
0x9f: {  	[timem:s3], [sflag:s2] =	dma.local @!p0 [hbm:s0], s1  }
0xa0: {  	s0 =	simm.s32 @!p0 $0x3  }
0xa1: {  	_ =	swait.ge @!p0 [sflag:s0], s1  }
0xa2: {  	s1 =	ssub.s32 @!p0 $0x0, s1;
	[sflag:s0] =	ssyncset.done @!p0 $0x0  }
0xa3: {  	[sflag:s0] =	ssyncadd.s32 @!p0 s1  }
0xa4: {  	[bflag:$0x3] =	sbarrier.arrive $0xFFFF  }
0xa5: {  	_ =	shalt  }

</sc_bundles>
